<compile_context>
chip_gen: v7x
topology: tpu7x:2x2x1
jax: 0.10.2.dev20260603
libtpu: 0.0.44.dev20260713+nightly
codegen_flags: <defaults>
</compile_context>

<pallas_src>
import jax
import jax.numpy as jnp
from jax import lax
from jax.experimental import pallas as pl
from jax.experimental.pallas import tpu as pltpu
from jax.experimental.pallas import tpu_sc as plsc


_BR = 512
_BC = 2048
_G = 256


def _scan_small(a):
    w = a.shape[1]
    k = 1
    while k < w:
        a = a + jnp.concatenate(
            [jnp.zeros((a.shape[0], k), a.dtype), a[:, :-k]], axis=1
        )
        k *= 2
    return a


def _tc_body(x_ref, m_ref, o_ref, acc_ref):
    j = pl.program_id(1)

    @pl.when(j == 0)
    def _():
        acc_ref[...] = jnp.zeros_like(acc_ref)

    masked = x_ref[...] * m_ref[...].astype(jnp.float32)
    ng = _BC // _G
    row = lax.broadcasted_iota(jnp.int32, (_G, _G), 0)
    col = lax.broadcasted_iota(jnp.int32, (_G, _G), 1)
    tri = (row <= col).astype(jnp.float32)

    local = [
        jnp.dot(masked[:, g * _G:(g + 1) * _G], tri,
                preferred_element_type=jnp.float32)
        for g in range(ng)
    ]
    gs = jnp.concatenate([l[:, _G - 1:_G] for l in local], axis=1)
    incl = _scan_small(gs)
    offs = incl - gs + acc_ref[...][:, :1]

    for g in range(ng):
        o_ref[:, g * _G:(g + 1) * _G] = local[g] + offs[:, g:g + 1]

    total = offs[:, ng - 1:ng] + gs[:, ng - 1:ng]
    acc_ref[...] = jnp.broadcast_to(total, acc_ref.shape)


def _tc_cumsum(x, mask):
    rows, cols = x.shape
    grid = (rows // _BR, cols // _BC)
    return pl.pallas_call(
        _tc_body,
        grid=grid,
        in_specs=[
            pl.BlockSpec((_BR, _BC), lambda i, j: (i, j)),
            pl.BlockSpec((_BR, _BC), lambda i, j: (i, j)),
        ],
        out_specs=pl.BlockSpec((_BR, _BC), lambda i, j: (i, j)),
        out_shape=jax.ShapeDtypeStruct((rows, cols), jnp.float32),
        scratch_shapes=[pltpu.VMEM((_BR, 128), jnp.float32)],
        compiler_params=pltpu.CompilerParams(
            dimension_semantics=("parallel", "arbitrary"),
        ),
    )(x, mask)



_NW = 32
_RG = 4
_COLS = 8192

_GATHER_DNUMS = lax.GatherDimensionNumbers(
    offset_dims=(), collapsed_slice_dims=(0,), start_index_map=(0,)
)


def _bcast_last(v):
    idx = jnp.full((16, 1), 15, jnp.int32)
    return lax.gather(
        v, idx, _GATHER_DNUMS, (1,),
        mode=lax.GatherScatterMode.PROMISE_IN_BOUNDS,
    )


def _sc_body(x_hbm, m_hbm, o_hbm, xv, mv, ov):
    c = lax.axis_index("c")
    s = lax.axis_index("s")
    wid = s * 2 + c
    rows = x_hbm.shape[0] // _COLS
    rows_per_w = rows // _NW
    base = wid * rows_per_w
    n_groups = rows_per_w // _RG
    nv = _COLS // 16

    def group_fn(g, _):
        e0 = (base + g * _RG) * _COLS
        pltpu.sync_copy(x_hbm.at[pl.ds(e0, _RG * _COLS)], xv)
        pltpu.sync_copy(m_hbm.at[pl.ds(e0, _RG * _COLS)], mv)

        def row_fn(r, _):
            def t_fn(t, carry):
                o = r * _COLS + 128 * t
                zs = [
                    xv[pl.ds(o + 16 * j, 16)]
                    * mv[pl.ds(o + 16 * j, 16)].astype(jnp.float32)
                    for j in range(8)
                ]
                cs = [plsc.cumsum(z) for z in zs]
                ts = [_bcast_last(cv) for cv in cs]
                acc = carry
                for j in range(8):
                    ov[pl.ds(o + 16 * j, 16)] = cs[j] + acc
                    acc = acc + ts[j]
                return acc

            lax.fori_loop(0, nv // 8, t_fn, jnp.zeros((16,), jnp.float32))
            return 0

        lax.fori_loop(0, _RG, row_fn, 0)
        pltpu.sync_copy(ov, o_hbm.at[pl.ds(e0, _RG * _COLS)])
        return 0

    lax.fori_loop(0, n_groups, group_fn, 0)


def _sc_cumsum(x, mask):
    rows, cols = x.shape
    m32 = mask.astype(jnp.int32).reshape(rows * cols)
    mesh = plsc.VectorSubcoreMesh(core_axis_name="c", subcore_axis_name="s")
    f = pl.kernel(
        _sc_body,
        out_type=jax.ShapeDtypeStruct((rows * cols,), jnp.float32),
        mesh=mesh,
        scratch_types=[
            pltpu.VMEM((_RG * cols,), jnp.float32),
            pltpu.VMEM((_RG * cols,), jnp.int32),
            pltpu.VMEM((_RG * cols,), jnp.float32),
        ],
        compiler_params=pltpu.CompilerParams(needs_layout_passes=False),
    )
    return f(x.reshape(rows * cols), m32).reshape(rows, cols)


_SC_ROWS = 512


def kernel(x, mask):
    rows, _ = x.shape
    nt = rows - _SC_ROWS
    out_tc = _tc_cumsum(x[:nt], mask[:nt])
    out_sc = _sc_cumsum(x[nt:], mask[nt:])
    return jnp.concatenate([out_tc, out_sc], axis=0)

# --- scband reference (transcript-rebuilt; emitter-appended) ---
"""Pipeline reference for scband-model-new-73315091744668 (READ-ONLY COPY).

The authoritative reference and input builder live on the scoring server;
editing this copy changes nothing except your own understanding.
"""

import jax, jax.numpy as jnp
import numpy as np


def setup_inputs(seed: int = 0) -> dict:
    key = jax.random.key(seed)
    k1, k2 = jax.random.split(key)
    x = jax.random.normal(k1, (4096, 8192), dtype=jnp.float32)
    mask = jax.random.randint(k2, (4096, 8192), 0, 2).astype(jnp.bool_)
    return {"x": x, "mask": mask}


def reference(x, mask):
    # masked cumulative sum along dim=1: zero out masked-off elements, then inclusive scan
    masked = x * mask.astype(x.dtype)
    return jnp.cumsum(masked, axis=1)

if __name__ == "__main__":
    import jax
    _d = setup_inputs()
    print(jax.jit(kernel)(*tuple(_d.values())))

</pallas_src>

<mosaic_0001>
#map = affine_map<(d0, d1) -> (0)>
module attributes {stable_mosaic.version = 14 : i64} {
  func.func @_sc_body(%arg0: i32, %arg1: i32, %arg2: memref<4194304xf32, #tpu.memory_space<hbm>>, %arg3: memref<4194304xi32, #tpu.memory_space<hbm>>, %arg4: memref<4194304xf32, #tpu.memory_space<hbm>>, %arg5: memref<32768xf32, #tpu.memory_space<vmem>>, %arg6: memref<32768xi32, #tpu.memory_space<vmem>>, %arg7: memref<32768xf32, #tpu.memory_space<vmem>>) attributes {dimension_semantics = [#tpu.dimension_semantics<core_parallel>, #tpu.dimension_semantics<subcore_parallel>], iteration_bounds = array<i64: 2, 16>, scalar_prefetch = 0 : i64, scratch_operands = 3 : i64, tpu.core_type = #tpu.core_type<sc_vector_subcore>, window_params = [{transform_indices = #map}, {transform_indices = #map}, {transform_indices = #map}]} {
    %mul3A = arith.constant 2 : i32
    %mul3A_0 = arith.muli %arg1, %mul3A : i32
    %add3A = arith.addi %mul3A_0, %arg0 : i32
    %mul3A_1 = arith.constant 16 : i32
    %mul3A_2 = arith.muli %add3A, %mul3A_1 : i32
    %scan3A = arith.constant 0 : i32
    %scan3A_3 = arith.constant 0 : i32
    %scan3A_4 = arith.constant 4 : i32
    %scan3A_5 = arith.addi %scan3A_3, %scan3A_4 : i32
    %scan3A_6 = arith.constant 1 : i32
    %scan3A_7 = scf.for %scan3A_9 = %scan3A_3 to %scan3A_5 step %scan3A_6 iter_args(%scan3A_10 = %scan3A) -> (i32)  : i32 {
      %mul3A_11 = arith.constant 4 : i32
      %mul3A_12 = arith.muli %scan3A_9, %mul3A_11 : i32
      %add3A_13 = arith.addi %mul3A_2, %mul3A_12 : i32
      %mul3A_14 = arith.constant 8192 : i32
      %mul3A_15 = arith.muli %add3A_13, %mul3A_14 : i32
      "tpu.region"() ({
        %run_scoped3A = tpu.sem_alloc : memref<!tpu.dma_semaphore, #tpu.memory_space<semaphore_mem>>
        %dma_start3A = tpu.memref_slice %arg2[%mul3A_15] : memref<4194304xf32, #tpu.memory_space<hbm>> -> memref<32768xf32, #tpu.memory_space<hbm>>
        %dma_start3A_24 = tpu.memref_slice %arg2[%mul3A_15] : memref<4194304xf32, #tpu.memory_space<hbm>> -> memref<32768xf32, #tpu.memory_space<hbm>>
        tpu.enqueue_dma source(%dma_start3A_24 : memref<32768xf32, #tpu.memory_space<hbm>>) target(%arg5 : memref<32768xf32, #tpu.memory_space<vmem>>) target_semaphore(%run_scoped3A : memref<!tpu.dma_semaphore, #tpu.memory_space<semaphore_mem>>)
        %dma_wait3A = tpu.memref_slice %arg2[%mul3A_15] : memref<4194304xf32, #tpu.memory_space<hbm>> -> memref<32768xf32, #tpu.memory_space<hbm>>
        %dma_wait3A_25 = tpu.memref_slice %arg2[%mul3A_15] : memref<4194304xf32, #tpu.memory_space<hbm>> -> memref<32768xf32, #tpu.memory_space<hbm>>
        tpu.wait_dma2 semaphore(%run_scoped3A : memref<!tpu.dma_semaphore, #tpu.memory_space<semaphore_mem>>) src(%dma_wait3A_25 : memref<32768xf32, #tpu.memory_space<hbm>>) dst(%arg5 : memref<32768xf32, #tpu.memory_space<vmem>>)
        tpu.yield
      }) : () -> ()
      "tpu.region"() ({
        %run_scoped3A = tpu.sem_alloc : memref<!tpu.dma_semaphore, #tpu.memory_space<semaphore_mem>>
        %dma_start3A = tpu.memref_slice %arg3[%mul3A_15] : memref<4194304xi32, #tpu.memory_space<hbm>> -> memref<32768xi32, #tpu.memory_space<hbm>>
        %dma_start3A_24 = tpu.memref_slice %arg3[%mul3A_15] : memref<4194304xi32, #tpu.memory_space<hbm>> -> memref<32768xi32, #tpu.memory_space<hbm>>
        tpu.enqueue_dma source(%dma_start3A_24 : memref<32768xi32, #tpu.memory_space<hbm>>) target(%arg6 : memref<32768xi32, #tpu.memory_space<vmem>>) target_semaphore(%run_scoped3A : memref<!tpu.dma_semaphore, #tpu.memory_space<semaphore_mem>>)
        %dma_wait3A = tpu.memref_slice %arg3[%mul3A_15] : memref<4194304xi32, #tpu.memory_space<hbm>> -> memref<32768xi32, #tpu.memory_space<hbm>>
        %dma_wait3A_25 = tpu.memref_slice %arg3[%mul3A_15] : memref<4194304xi32, #tpu.memory_space<hbm>> -> memref<32768xi32, #tpu.memory_space<hbm>>
        tpu.wait_dma2 semaphore(%run_scoped3A : memref<!tpu.dma_semaphore, #tpu.memory_space<semaphore_mem>>) src(%dma_wait3A_25 : memref<32768xi32, #tpu.memory_space<hbm>>) dst(%arg6 : memref<32768xi32, #tpu.memory_space<vmem>>)
        tpu.yield
      }) : () -> ()
      %scan3A_16 = arith.constant 0 : i32
      %scan3A_17 = arith.constant 0 : i32
      %scan3A_18 = arith.constant 4 : i32
      %scan3A_19 = arith.addi %scan3A_17, %scan3A_18 : i32
      %scan3A_20 = arith.constant 1 : i32
      %scan3A_21 = scf.for %scan3A_24 = %scan3A_17 to %scan3A_19 step %scan3A_20 iter_args(%scan3A_25 = %scan3A_16) -> (i32)  : i32 {
        %broadcast_in_dim3A = arith.constant 0.000000e+00 : f32
        %broadcast_in_dim3A_26 = vector.broadcast %broadcast_in_dim3A : f32 to vector<16xf32>
        %scan3A_27 = arith.constant 0 : i32
        %scan3A_28 = arith.constant 64 : i32
        %scan3A_29 = arith.addi %scan3A_27, %scan3A_28 : i32
        %scan3A_30 = arith.constant 1 : i32
        %scan3A_31 = scf.for %scan3A_34 = %scan3A_27 to %scan3A_29 step %scan3A_30 iter_args(%scan3A_35 = %broadcast_in_dim3A_26) -> (vector<16xf32>)  : i32 {
          %mul3A_36 = arith.constant 8192 : i32
          %mul3A_37 = arith.muli %scan3A_24, %mul3A_36 : i32
          %mul3A_38 = arith.constant 128 : i32
          %mul3A_39 = arith.muli %mul3A_38, %scan3A_34 : i32
          %add3A_40 = arith.addi %mul3A_37, %mul3A_39 : i32
          %add3A_41 = arith.constant 0 : i32
          %add3A_42 = arith.addi %add3A_40, %add3A_41 : i32
          %get3A = arith.index_cast %add3A_42 : i32 to index
          %get3A_43 = tpu.vector_load %arg5[%get3A] {strides = array<i32>} : memref<32768xf32, #tpu.memory_space<vmem>>, vector<16xf32>,
          %add3A_44 = arith.constant 0 : i32
          %add3A_45 = arith.addi %add3A_40, %add3A_44 : i32
          %get3A_46 = arith.index_cast %add3A_45 : i32 to index
          %get3A_47 = tpu.vector_load %arg6[%get3A_46] {strides = array<i32>} : memref<32768xi32, #tpu.memory_space<vmem>>, vector<16xi32>,
          %convert_element_type3A = arith.sitofp %get3A_47 : vector<16xi32> to vector<16xf32>
          %mul3A_48 = arith.mulf %get3A_43, %convert_element_type3A : vector<16xf32>
          %add3A_49 = arith.constant 16 : i32
          %add3A_50 = arith.addi %add3A_40, %add3A_49 : i32
          %get3A_51 = arith.index_cast %add3A_50 : i32 to index
          %get3A_52 = tpu.vector_load %arg5[%get3A_51] {strides = array<i32>} : memref<32768xf32, #tpu.memory_space<vmem>>, vector<16xf32>,
          %add3A_53 = arith.constant 16 : i32
          %add3A_54 = arith.addi %add3A_40, %add3A_53 : i32
          %get3A_55 = arith.index_cast %add3A_54 : i32 to index
          %get3A_56 = tpu.vector_load %arg6[%get3A_55] {strides = array<i32>} : memref<32768xi32, #tpu.memory_space<vmem>>, vector<16xi32>,
          %convert_element_type3A_57 = arith.sitofp %get3A_56 : vector<16xi32> to vector<16xf32>
          %mul3A_58 = arith.mulf %get3A_52, %convert_element_type3A_57 : vector<16xf32>
          %add3A_59 = arith.constant 32 : i32
          %add3A_60 = arith.addi %add3A_40, %add3A_59 : i32
          %get3A_61 = arith.index_cast %add3A_60 : i32 to index
          %get3A_62 = tpu.vector_load %arg5[%get3A_61] {strides = array<i32>} : memref<32768xf32, #tpu.memory_space<vmem>>, vector<16xf32>,
          %add3A_63 = arith.constant 32 : i32
          %add3A_64 = arith.addi %add3A_40, %add3A_63 : i32
          %get3A_65 = arith.index_cast %add3A_64 : i32 to index
          %get3A_66 = tpu.vector_load %arg6[%get3A_65] {strides = array<i32>} : memref<32768xi32, #tpu.memory_space<vmem>>, vector<16xi32>,
          %convert_element_type3A_67 = arith.sitofp %get3A_66 : vector<16xi32> to vector<16xf32>
          %mul3A_68 = arith.mulf %get3A_62, %convert_element_type3A_67 : vector<16xf32>
          %add3A_69 = arith.constant 48 : i32
          %add3A_70 = arith.addi %add3A_40, %add3A_69 : i32
          %get3A_71 = arith.index_cast %add3A_70 : i32 to index
          %get3A_72 = tpu.vector_load %arg5[%get3A_71] {strides = array<i32>} : memref<32768xf32, #tpu.memory_space<vmem>>, vector<16xf32>,
          %add3A_73 = arith.constant 48 : i32
          %add3A_74 = arith.addi %add3A_40, %add3A_73 : i32
          %get3A_75 = arith.index_cast %add3A_74 : i32 to index
          %get3A_76 = tpu.vector_load %arg6[%get3A_75] {strides = array<i32>} : memref<32768xi32, #tpu.memory_space<vmem>>, vector<16xi32>,
          %convert_element_type3A_77 = arith.sitofp %get3A_76 : vector<16xi32> to vector<16xf32>
          %mul3A_78 = arith.mulf %get3A_72, %convert_element_type3A_77 : vector<16xf32>
          %add3A_79 = arith.constant 64 : i32
          %add3A_80 = arith.addi %add3A_40, %add3A_79 : i32
          %get3A_81 = arith.index_cast %add3A_80 : i32 to index
          %get3A_82 = tpu.vector_load %arg5[%get3A_81] {strides = array<i32>} : memref<32768xf32, #tpu.memory_space<vmem>>, vector<16xf32>,
          %add3A_83 = arith.constant 64 : i32
          %add3A_84 = arith.addi %add3A_40, %add3A_83 : i32
          %get3A_85 = arith.index_cast %add3A_84 : i32 to index
          %get3A_86 = tpu.vector_load %arg6[%get3A_85] {strides = array<i32>} : memref<32768xi32, #tpu.memory_space<vmem>>, vector<16xi32>,
          %convert_element_type3A_87 = arith.sitofp %get3A_86 : vector<16xi32> to vector<16xf32>
          %mul3A_88 = arith.mulf %get3A_82, %convert_element_type3A_87 : vector<16xf32>
          %add3A_89 = arith.constant 80 : i32
          %add3A_90 = arith.addi %add3A_40, %add3A_89 : i32
          %get3A_91 = arith.index_cast %add3A_90 : i32 to index
          %get3A_92 = tpu.vector_load %arg5[%get3A_91] {strides = array<i32>} : memref<32768xf32, #tpu.memory_space<vmem>>, vector<16xf32>,
          %add3A_93 = arith.constant 80 : i32
          %add3A_94 = arith.addi %add3A_40, %add3A_93 : i32
          %get3A_95 = arith.index_cast %add3A_94 : i32 to index
          %get3A_96 = tpu.vector_load %arg6[%get3A_95] {strides = array<i32>} : memref<32768xi32, #tpu.memory_space<vmem>>, vector<16xi32>,
          %convert_element_type3A_97 = arith.sitofp %get3A_96 : vector<16xi32> to vector<16xf32>
          %mul3A_98 = arith.mulf %get3A_92, %convert_element_type3A_97 : vector<16xf32>
          %add3A_99 = arith.constant 96 : i32
          %add3A_100 = arith.addi %add3A_40, %add3A_99 : i32
          %get3A_101 = arith.index_cast %add3A_100 : i32 to index
          %get3A_102 = tpu.vector_load %arg5[%get3A_101] {strides = array<i32>} : memref<32768xf32, #tpu.memory_space<vmem>>, vector<16xf32>,
          %add3A_103 = arith.constant 96 : i32
          %add3A_104 = arith.addi %add3A_40, %add3A_103 : i32
          %get3A_105 = arith.index_cast %add3A_104 : i32 to index
          %get3A_106 = tpu.vector_load %arg6[%get3A_105] {strides = array<i32>} : memref<32768xi32, #tpu.memory_space<vmem>>, vector<16xi32>,
          %convert_element_type3A_107 = arith.sitofp %get3A_106 : vector<16xi32> to vector<16xf32>
          %mul3A_108 = arith.mulf %get3A_102, %convert_element_type3A_107 : vector<16xf32>
          %add3A_109 = arith.constant 112 : i32
          %add3A_110 = arith.addi %add3A_40, %add3A_109 : i32
          %get3A_111 = arith.index_cast %add3A_110 : i32 to index
          %get3A_112 = tpu.vector_load %arg5[%get3A_111] {strides = array<i32>} : memref<32768xf32, #tpu.memory_space<vmem>>, vector<16xf32>,
          %add3A_113 = arith.constant 112 : i32
          %add3A_114 = arith.addi %add3A_40, %add3A_113 : i32
          %get3A_115 = arith.index_cast %add3A_114 : i32 to index
          %get3A_116 = tpu.vector_load %arg6[%get3A_115] {strides = array<i32>} : memref<32768xi32, #tpu.memory_space<vmem>>, vector<16xi32>,
          %convert_element_type3A_117 = arith.sitofp %get3A_116 : vector<16xi32> to vector<16xf32>
          %mul3A_118 = arith.mulf %get3A_112, %convert_element_type3A_117 : vector<16xf32>
          %broadcast_in_dim3A_119 = arith.constant true
          %broadcast_in_dim3A_120 = vector.broadcast %broadcast_in_dim3A_119 : i1 to vector<16xi1>
          %masked_cumsum3A = tpu.scan <sum>, %mul3A_48 masked %broadcast_in_dim3A_120 : vector<16xf32>, vector<16xi1> -> vector<16xf32>
          %broadcast_in_dim3A_121 = arith.constant true
          %broadcast_in_dim3A_122 = vector.broadcast %broadcast_in_dim3A_121 : i1 to vector<16xi1>
          %masked_cumsum3A_123 = tpu.scan <sum>, %mul3A_58 masked %broadcast_in_dim3A_122 : vector<16xf32>, vector<16xi1> -> vector<16xf32>
          %broadcast_in_dim3A_124 = arith.constant true
          %broadcast_in_dim3A_125 = vector.broadcast %broadcast_in_dim3A_124 : i1 to vector<16xi1>
          %masked_cumsum3A_126 = tpu.scan <sum>, %mul3A_68 masked %broadcast_in_dim3A_125 : vector<16xf32>, vector<16xi1> -> vector<16xf32>
          %broadcast_in_dim3A_127 = arith.constant true
          %broadcast_in_dim3A_128 = vector.broadcast %broadcast_in_dim3A_127 : i1 to vector<16xi1>
          %masked_cumsum3A_129 = tpu.scan <sum>, %mul3A_78 masked %broadcast_in_dim3A_128 : vector<16xf32>, vector<16xi1> -> vector<16xf32>
          %broadcast_in_dim3A_130 = arith.constant true
          %broadcast_in_dim3A_131 = vector.broadcast %broadcast_in_dim3A_130 : i1 to vector<16xi1>
          %masked_cumsum3A_132 = tpu.scan <sum>, %mul3A_88 masked %broadcast_in_dim3A_131 : vector<16xf32>, vector<16xi1> -> vector<16xf32>
          %broadcast_in_dim3A_133 = arith.constant true
          %broadcast_in_dim3A_134 = vector.broadcast %broadcast_in_dim3A_133 : i1 to vector<16xi1>
          %masked_cumsum3A_135 = tpu.scan <sum>, %mul3A_98 masked %broadcast_in_dim3A_134 : vector<16xf32>, vector<16xi1> -> vector<16xf32>
          %broadcast_in_dim3A_136 = arith.constant true
          %broadcast_in_dim3A_137 = vector.broadcast %broadcast_in_dim3A_136 : i1 to vector<16xi1>
          %masked_cumsum3A_138 = tpu.scan <sum>, %mul3A_108 masked %broadcast_in_dim3A_137 : vector<16xf32>, vector<16xi1> -> vector<16xf32>
          %broadcast_in_dim3A_139 = arith.constant true
          %broadcast_in_dim3A_140 = vector.broadcast %broadcast_in_dim3A_139 : i1 to vector<16xi1>
          %masked_cumsum3A_141 = tpu.scan <sum>, %mul3A_118 masked %broadcast_in_dim3A_140 : vector<16xf32>, vector<16xi1> -> vector<16xf32>
          %broadcast_in_dim3A_142 = arith.constant 15 : i32
          %broadcast_in_dim3A_143 = vector.broadcast %broadcast_in_dim3A_142 : i32 to vector<16x1xi32>
          %gather3A = vector.shape_cast %broadcast_in_dim3A_143 : vector<16x1xi32> to vector<16xi32>
          %gather3A_144 = tpu.dynamic_gather %masked_cumsum3A[%gather3A] in [0] : vector<16xf32>, vector<16xi32> -> vector<16xf32>
          %broadcast_in_dim3A_145 = arith.constant 15 : i32
          %broadcast_in_dim3A_146 = vector.broadcast %broadcast_in_dim3A_145 : i32 to vector<16x1xi32>
          %gather3A_147 = vector.shape_cast %broadcast_in_dim3A_146 : vector<16x1xi32> to vector<16xi32>
          %gather3A_148 = tpu.dynamic_gather %masked_cumsum3A_123[%gather3A_147] in [0] : vector<16xf32>, vector<16xi32> -> vector<16xf32>
          %broadcast_in_dim3A_149 = arith.constant 15 : i32
          %broadcast_in_dim3A_150 = vector.broadcast %broadcast_in_dim3A_149 : i32 to vector<16x1xi32>
          %gather3A_151 = vector.shape_cast %broadcast_in_dim3A_150 : vector<16x1xi32> to vector<16xi32>
          %gather3A_152 = tpu.dynamic_gather %masked_cumsum3A_126[%gather3A_151] in [0] : vector<16xf32>, vector<16xi32> -> vector<16xf32>
          %broadcast_in_dim3A_153 = arith.constant 15 : i32
          %broadcast_in_dim3A_154 = vector.broadcast %broadcast_in_dim3A_153 : i32 to vector<16x1xi32>
          %gather3A_155 = vector.shape_cast %broadcast_in_dim3A_154 : vector<16x1xi32> to vector<16xi32>
          %gather3A_156 = tpu.dynamic_gather %masked_cumsum3A_129[%gather3A_155] in [0] : vector<16xf32>, vector<16xi32> -> vector<16xf32>
          %broadcast_in_dim3A_157 = arith.constant 15 : i32
          %broadcast_in_dim3A_158 = vector.broadcast %broadcast_in_dim3A_157 : i32 to vector<16x1xi32>
          %gather3A_159 = vector.shape_cast %broadcast_in_dim3A_158 : vector<16x1xi32> to vector<16xi32>
          %gather3A_160 = tpu.dynamic_gather %masked_cumsum3A_132[%gather3A_159] in [0] : vector<16xf32>, vector<16xi32> -> vector<16xf32>
          %broadcast_in_dim3A_161 = arith.constant 15 : i32
          %broadcast_in_dim3A_162 = vector.broadcast %broadcast_in_dim3A_161 : i32 to vector<16x1xi32>
          %gather3A_163 = vector.shape_cast %broadcast_in_dim3A_162 : vector<16x1xi32> to vector<16xi32>
          %gather3A_164 = tpu.dynamic_gather %masked_cumsum3A_135[%gather3A_163] in [0] : vector<16xf32>, vector<16xi32> -> vector<16xf32>
          %broadcast_in_dim3A_165 = arith.constant 15 : i32
          %broadcast_in_dim3A_166 = vector.broadcast %broadcast_in_dim3A_165 : i32 to vector<16x1xi32>
          %gather3A_167 = vector.shape_cast %broadcast_in_dim3A_166 : vector<16x1xi32> to vector<16xi32>
          %gather3A_168 = tpu.dynamic_gather %masked_cumsum3A_138[%gather3A_167] in [0] : vector<16xf32>, vector<16xi32> -> vector<16xf32>
          %broadcast_in_dim3A_169 = arith.constant 15 : i32
          %broadcast_in_dim3A_170 = vector.broadcast %broadcast_in_dim3A_169 : i32 to vector<16x1xi32>
          %gather3A_171 = vector.shape_cast %broadcast_in_dim3A_170 : vector<16x1xi32> to vector<16xi32>
          %gather3A_172 = tpu.dynamic_gather %masked_cumsum3A_141[%gather3A_171] in [0] : vector<16xf32>, vector<16xi32> -> vector<16xf32>
          %add3A_173 = arith.addf %masked_cumsum3A, %scan3A_35 : vector<16xf32>
          %add3A_174 = arith.constant 0 : i32
          %add3A_175 = arith.addi %add3A_40, %add3A_174 : i32
          %swap3A = arith.index_cast %add3A_175 : i32 to index
          %swap3A_176 = tpu.vector_load %arg7[%swap3A] {strides = array<i32>} : memref<32768xf32, #tpu.memory_space<vmem>>, vector<16xf32>,
          tpu.vector_store %arg7[%swap3A], %add3A_173 {strides = array<i32>} : memref<32768xf32, #tpu.memory_space<vmem>>, vector<16xf32>,
          %add3A_177 = arith.addf %scan3A_35, %gather3A_144 : vector<16xf32>
          %add3A_178 = arith.addf %masked_cumsum3A_123, %add3A_177 : vector<16xf32>
          %add3A_179 = arith.constant 16 : i32
          %add3A_180 = arith.addi %add3A_40, %add3A_179 : i32
          %swap3A_181 = arith.index_cast %add3A_180 : i32 to index
          %swap3A_182 = tpu.vector_load %arg7[%swap3A_181] {strides = array<i32>} : memref<32768xf32, #tpu.memory_space<vmem>>, vector<16xf32>,
          tpu.vector_store %arg7[%swap3A_181], %add3A_178 {strides = array<i32>} : memref<32768xf32, #tpu.memory_space<vmem>>, vector<16xf32>,
          %add3A_183 = arith.addf %add3A_177, %gather3A_148 : vector<16xf32>
          %add3A_184 = arith.addf %masked_cumsum3A_126, %add3A_183 : vector<16xf32>
          %add3A_185 = arith.constant 32 : i32
          %add3A_186 = arith.addi %add3A_40, %add3A_185 : i32
          %swap3A_187 = arith.index_cast %add3A_186 : i32 to index
          %swap3A_188 = tpu.vector_load %arg7[%swap3A_187] {strides = array<i32>} : memref<32768xf32, #tpu.memory_space<vmem>>, vector<16xf32>,
          tpu.vector_store %arg7[%swap3A_187], %add3A_184 {strides = array<i32>} : memref<32768xf32, #tpu.memory_space<vmem>>, vector<16xf32>,
          %add3A_189 = arith.addf %add3A_183, %gather3A_152 : vector<16xf32>
          %add3A_190 = arith.addf %masked_cumsum3A_129, %add3A_189 : vector<16xf32>
          %add3A_191 = arith.constant 48 : i32
          %add3A_192 = arith.addi %add3A_40, %add3A_191 : i32
          %swap3A_193 = arith.index_cast %add3A_192 : i32 to index
          %swap3A_194 = tpu.vector_load %arg7[%swap3A_193] {strides = array<i32>} : memref<32768xf32, #tpu.memory_space<vmem>>, vector<16xf32>,
          tpu.vector_store %arg7[%swap3A_193], %add3A_190 {strides = array<i32>} : memref<32768xf32, #tpu.memory_space<vmem>>, vector<16xf32>,
          %add3A_195 = arith.addf %add3A_189, %gather3A_156 : vector<16xf32>
          %add3A_196 = arith.addf %masked_cumsum3A_132, %add3A_195 : vector<16xf32>
          %add3A_197 = arith.constant 64 : i32
          %add3A_198 = arith.addi %add3A_40, %add3A_197 : i32
          %swap3A_199 = arith.index_cast %add3A_198 : i32 to index
          %swap3A_200 = tpu.vector_load %arg7[%swap3A_199] {strides = array<i32>} : memref<32768xf32, #tpu.memory_space<vmem>>, vector<16xf32>,
          tpu.vector_store %arg7[%swap3A_199], %add3A_196 {strides = array<i32>} : memref<32768xf32, #tpu.memory_space<vmem>>, vector<16xf32>,
          %add3A_201 = arith.addf %add3A_195, %gather3A_160 : vector<16xf32>
          %add3A_202 = arith.addf %masked_cumsum3A_135, %add3A_201 : vector<16xf32>
          %add3A_203 = arith.constant 80 : i32
          %add3A_204 = arith.addi %add3A_40, %add3A_203 : i32
          %swap3A_205 = arith.index_cast %add3A_204 : i32 to index
          %swap3A_206 = tpu.vector_load %arg7[%swap3A_205] {strides = array<i32>} : memref<32768xf32, #tpu.memory_space<vmem>>, vector<16xf32>,
          tpu.vector_store %arg7[%swap3A_205], %add3A_202 {strides = array<i32>} : memref<32768xf32, #tpu.memory_space<vmem>>, vector<16xf32>,
          %add3A_207 = arith.addf %add3A_201, %gather3A_164 : vector<16xf32>
          %add3A_208 = arith.addf %masked_cumsum3A_138, %add3A_207 : vector<16xf32>
          %add3A_209 = arith.constant 96 : i32
          %add3A_210 = arith.addi %add3A_40, %add3A_209 : i32
          %swap3A_211 = arith.index_cast %add3A_210 : i32 to index
          %swap3A_212 = tpu.vector_load %arg7[%swap3A_211] {strides = array<i32>} : memref<32768xf32, #tpu.memory_space<vmem>>, vector<16xf32>,
          tpu.vector_store %arg7[%swap3A_211], %add3A_208 {strides = array<i32>} : memref<32768xf32, #tpu.memory_space<vmem>>, vector<16xf32>,
          %add3A_213 = arith.addf %add3A_207, %gather3A_168 : vector<16xf32>
          %add3A_214 = arith.addf %masked_cumsum3A_141, %add3A_213 : vector<16xf32>
          %add3A_215 = arith.constant 112 : i32
          %add3A_216 = arith.addi %add3A_40, %add3A_215 : i32
          %swap3A_217 = arith.index_cast %add3A_216 : i32 to index
          %swap3A_218 = tpu.vector_load %arg7[%swap3A_217] {strides = array<i32>} : memref<32768xf32, #tpu.memory_space<vmem>>, vector<16xf32>,
          tpu.vector_store %arg7[%swap3A_217], %add3A_214 {strides = array<i32>} : memref<32768xf32, #tpu.memory_space<vmem>>, vector<16xf32>,
          %add3A_219 = arith.addf %add3A_213, %gather3A_172 : vector<16xf32>
          scf.yield %add3A_219 : vector<16xf32>
        }
        %scan3A_32 = arith.constant 64 : i32
        %scan3A_33 = arith.constant 0 : i32
        scf.yield %scan3A_33 : i32
      }
      %scan3A_22 = arith.constant 4 : i32
      "tpu.region"() ({
        %run_scoped3A = tpu.sem_alloc : memref<!tpu.dma_semaphore, #tpu.memory_space<semaphore_mem>>
        %dma_start3A = tpu.memref_slice %arg4[%mul3A_15] : memref<4194304xf32, #tpu.memory_space<hbm>> -> memref<32768xf32, #tpu.memory_space<hbm>>
        %dma_start3A_24 = tpu.memref_slice %arg4[%mul3A_15] : memref<4194304xf32, #tpu.memory_space<hbm>> -> memref<32768xf32, #tpu.memory_space<hbm>>
        tpu.enqueue_dma source(%arg7 : memref<32768xf32, #tpu.memory_space<vmem>>) target(%dma_start3A_24 : memref<32768xf32, #tpu.memory_space<hbm>>) target_semaphore(%run_scoped3A : memref<!tpu.dma_semaphore, #tpu.memory_space<semaphore_mem>>)
        %dma_wait3A = tpu.memref_slice %arg4[%mul3A_15] : memref<4194304xf32, #tpu.memory_space<hbm>> -> memref<32768xf32, #tpu.memory_space<hbm>>
        %dma_wait3A_25 = tpu.memref_slice %arg4[%mul3A_15] : memref<4194304xf32, #tpu.memory_space<hbm>> -> memref<32768xf32, #tpu.memory_space<hbm>>
        tpu.wait_dma2 semaphore(%run_scoped3A : memref<!tpu.dma_semaphore, #tpu.memory_space<semaphore_mem>>) src(%arg7 : memref<32768xf32, #tpu.memory_space<vmem>>) dst(%dma_wait3A_25 : memref<32768xf32, #tpu.memory_space<hbm>>)
        tpu.yield
      }) : () -> ()
      %scan3A_23 = arith.constant 0 : i32
      scf.yield %scan3A_23 : i32
    }
    %scan3A_8 = arith.constant 4 : i32
    return
  }
}

module attributes {stable_mosaic.version = 14 : i64} {
  func.func @_tc_body(%arg0: i32, %arg1: i32, %arg2: memref<512x2048xf32, #tpu.memory_space<vmem>>, %arg3: memref<512x2048xi32, #tpu.memory_space<vmem>>, %arg4: memref<512x2048xf32, #tpu.memory_space<vmem>>, %arg5: memref<512x128xf32, #tpu.memory_space<vmem>>) attributes {dimension_semantics = [#tpu.dimension_semantics<parallel>, #tpu.dimension_semantics<arbitrary>], iteration_bounds = array<i64: 7, 4>, scalar_prefetch = 0 : i64, scratch_operands = 1 : i64, tpu.core_type = #tpu.core_type<tc>, window_params = [{transform_indices = @transform_0, window_bounds = array<i64: 512, 2048>}, {transform_indices = @transform_1, window_bounds = array<i64: 512, 2048>}, {transform_indices = @transform_2, window_bounds = array<i64: 512, 2048>}]} {
    %eq3A = arith.constant 0 : i32
    %eq3A_0 = arith.cmpi eq, %arg1, %eq3A : i32
    %convert_element_type3A = arith.extui %eq3A_0 : i1 to i32
    %cond3A = arith.constant 0 : i32
    %cond3A_1 = arith.cmpi ne, %convert_element_type3A, %cond3A : i32
    scf.if %cond3A_1 {
      %broadcast_in_dim3A_118 = arith.constant 0.000000e+00 : f32
      %broadcast_in_dim3A_119 = vector.broadcast %broadcast_in_dim3A_118 : f32 to vector<512x128xf32>
      %swap3A_120 = arith.constant 0 : index
      %swap3A_121 = arith.constant 0 : index
      %swap3A_122 = vector.load %arg5[%swap3A_120, %swap3A_121] : memref<512x128xf32, #tpu.memory_space<vmem>>, vector<512x128xf32>
      tpu.vector_store %arg5[%swap3A_120, %swap3A_121], %broadcast_in_dim3A_119 {strides = array<i32>} : memref<512x128xf32, #tpu.memory_space<vmem>>, vector<512x128xf32>,
    } else {
    }
    %get3A = arith.constant 0 : index
    %get3A_2 = arith.constant 0 : index
    %get3A_3 = vector.load %arg2[%get3A, %get3A_2] : memref<512x2048xf32, #tpu.memory_space<vmem>>, vector<512x2048xf32>
    %get3A_4 = arith.constant 0 : index
    %get3A_5 = arith.constant 0 : index
    %get3A_6 = vector.load %arg3[%get3A_4, %get3A_5] : memref<512x2048xi32, #tpu.memory_space<vmem>>, vector<512x2048xi32>
    %get3A_7 = arith.constant dense<0> : vector<512x2048xi32>
    %get3A_8 = arith.cmpi ne, %get3A_6, %get3A_7 : vector<512x2048xi32>
    %convert_element_type3A_9 = arith.extui %get3A_8 : vector<512x2048xi1> to vector<512x2048xi32>
    %convert_element_type3A_10 = arith.sitofp %convert_element_type3A_9 : vector<512x2048xi32> to vector<512x2048xf32>
    %mul3A = arith.mulf %get3A_3, %convert_element_type3A_10 : vector<512x2048xf32>
    %iota3A = tpu.iota {dimensions = array<i32: 0>} : vector<256x256xi32>
    %iota3A_11 = tpu.iota {dimensions = array<i32: 1>} : vector<256x256xi32>
    %le3A = arith.cmpi sle, %iota3A, %iota3A_11 : vector<256x256xi32>
    %convert_element_type3A_12 = arith.extui %le3A : vector<256x256xi1> to vector<256x256xi32>
    %convert_element_type3A_13 = arith.sitofp %convert_element_type3A_12 : vector<256x256xi32> to vector<256x256xf32>
    %slice3A = vector.extract_strided_slice %mul3A {offsets = [0, 0], sizes = [512, 256], strides = [1, 1]} : vector<512x2048xf32> to vector<512x256xf32>
    %dot_general3A = arith.constant dense<0.000000e+00> : vector<512x256xf32>
    %dot_general3A_14 = tpu.matmul %slice3A, %convert_element_type3A_13, %dot_general3A {dimension_numbers = #tpu.dot_dimension_numbers<[1], [0], [0], [1], [0, 0, 1, 1], [], []>, transpose_lhs_hint = false} : vector<512x256xf32>, vector<256x256xf32>, vector<512x256xf32> -> vector<512x256xf32>
    %slice3A_15 = vector.extract_strided_slice %mul3A {offsets = [0, 256], sizes = [512, 256], strides = [1, 1]} : vector<512x2048xf32> to vector<512x256xf32>
    %dot_general3A_16 = arith.constant dense<0.000000e+00> : vector<512x256xf32>
    %dot_general3A_17 = tpu.matmul %slice3A_15, %convert_element_type3A_13, %dot_general3A_16 {dimension_numbers = #tpu.dot_dimension_numbers<[1], [0], [0], [1], [0, 0, 1, 1], [], []>, transpose_lhs_hint = false} : vector<512x256xf32>, vector<256x256xf32>, vector<512x256xf32> -> vector<512x256xf32>
    %slice3A_18 = vector.extract_strided_slice %mul3A {offsets = [0, 512], sizes = [512, 256], strides = [1, 1]} : vector<512x2048xf32> to vector<512x256xf32>
    %dot_general3A_19 = arith.constant dense<0.000000e+00> : vector<512x256xf32>
    %dot_general3A_20 = tpu.matmul %slice3A_18, %convert_element_type3A_13, %dot_general3A_19 {dimension_numbers = #tpu.dot_dimension_numbers<[1], [0], [0], [1], [0, 0, 1, 1], [], []>, transpose_lhs_hint = false} : vector<512x256xf32>, vector<256x256xf32>, vector<512x256xf32> -> vector<512x256xf32>
    %slice3A_21 = vector.extract_strided_slice %mul3A {offsets = [0, 768], sizes = [512, 256], strides = [1, 1]} : vector<512x2048xf32> to vector<512x256xf32>
    %dot_general3A_22 = arith.constant dense<0.000000e+00> : vector<512x256xf32>
    %dot_general3A_23 = tpu.matmul %slice3A_21, %convert_element_type3A_13, %dot_general3A_22 {dimension_numbers = #tpu.dot_dimension_numbers<[1], [0], [0], [1], [0, 0, 1, 1], [], []>, transpose_lhs_hint = false} : vector<512x256xf32>, vector<256x256xf32>, vector<512x256xf32> -> vector<512x256xf32>
    %slice3A_24 = vector.extract_strided_slice %mul3A {offsets = [0, 1024], sizes = [512, 256], strides = [1, 1]} : vector<512x2048xf32> to vector<512x256xf32>
    %dot_general3A_25 = arith.constant dense<0.000000e+00> : vector<512x256xf32>
    %dot_general3A_26 = tpu.matmul %slice3A_24, %convert_element_type3A_13, %dot_general3A_25 {dimension_numbers = #tpu.dot_dimension_numbers<[1], [0], [0], [1], [0, 0, 1, 1], [], []>, transpose_lhs_hint = false} : vector<512x256xf32>, vector<256x256xf32>, vector<512x256xf32> -> vector<512x256xf32>
    %slice3A_27 = vector.extract_strided_slice %mul3A {offsets = [0, 1280], sizes = [512, 256], strides = [1, 1]} : vector<512x2048xf32> to vector<512x256xf32>
    %dot_general3A_28 = arith.constant dense<0.000000e+00> : vector<512x256xf32>
    %dot_general3A_29 = tpu.matmul %slice3A_27, %convert_element_type3A_13, %dot_general3A_28 {dimension_numbers = #tpu.dot_dimension_numbers<[1], [0], [0], [1], [0, 0, 1, 1], [], []>, transpose_lhs_hint = false} : vector<512x256xf32>, vector<256x256xf32>, vector<512x256xf32> -> vector<512x256xf32>
    %slice3A_30 = vector.extract_strided_slice %mul3A {offsets = [0, 1536], sizes = [512, 256], strides = [1, 1]} : vector<512x2048xf32> to vector<512x256xf32>
    %dot_general3A_31 = arith.constant dense<0.000000e+00> : vector<512x256xf32>
    %dot_general3A_32 = tpu.matmul %slice3A_30, %convert_element_type3A_13, %dot_general3A_31 {dimension_numbers = #tpu.dot_dimension_numbers<[1], [0], [0], [1], [0, 0, 1, 1], [], []>, transpose_lhs_hint = false} : vector<512x256xf32>, vector<256x256xf32>, vector<512x256xf32> -> vector<512x256xf32>
    %slice3A_33 = vector.extract_strided_slice %mul3A {offsets = [0, 1792], sizes = [512, 256], strides = [1, 1]} : vector<512x2048xf32> to vector<512x256xf32>
    %dot_general3A_34 = arith.constant dense<0.000000e+00> : vector<512x256xf32>
    %dot_general3A_35 = tpu.matmul %slice3A_33, %convert_element_type3A_13, %dot_general3A_34 {dimension_numbers = #tpu.dot_dimension_numbers<[1], [0], [0], [1], [0, 0, 1, 1], [], []>, transpose_lhs_hint = false} : vector<512x256xf32>, vector<256x256xf32>, vector<512x256xf32> -> vector<512x256xf32>
    %slice3A_36 = vector.extract_strided_slice %dot_general3A_14 {offsets = [0, 255], sizes = [512, 1], strides = [1, 1]} : vector<512x256xf32> to vector<512x1xf32>
    %slice3A_37 = vector.extract_strided_slice %dot_general3A_17 {offsets = [0, 255], sizes = [512, 1], strides = [1, 1]} : vector<512x256xf32> to vector<512x1xf32>
    %slice3A_38 = vector.extract_strided_slice %dot_general3A_20 {offsets = [0, 255], sizes = [512, 1], strides = [1, 1]} : vector<512x256xf32> to vector<512x1xf32>
    %slice3A_39 = vector.extract_strided_slice %dot_general3A_23 {offsets = [0, 255], sizes = [512, 1], strides = [1, 1]} : vector<512x256xf32> to vector<512x1xf32>
    %slice3A_40 = vector.extract_strided_slice %dot_general3A_26 {offsets = [0, 255], sizes = [512, 1], strides = [1, 1]} : vector<512x256xf32> to vector<512x1xf32>
    %slice3A_41 = vector.extract_strided_slice %dot_general3A_29 {offsets = [0, 255], sizes = [512, 1], strides = [1, 1]} : vector<512x256xf32> to vector<512x1xf32>
    %slice3A_42 = vector.extract_strided_slice %dot_general3A_32 {offsets = [0, 255], sizes = [512, 1], strides = [1, 1]} : vector<512x256xf32> to vector<512x1xf32>
    %slice3A_43 = vector.extract_strided_slice %dot_general3A_35 {offsets = [0, 255], sizes = [512, 1], strides = [1, 1]} : vector<512x256xf32> to vector<512x1xf32>
    %concatenate3A = tpu.concatenate %slice3A_36, %slice3A_37, %slice3A_38, %slice3A_39, %slice3A_40, %slice3A_41, %slice3A_42, %slice3A_43 in 1 : vector<512x1xf32>, vector<512x1xf32>, vector<512x1xf32>, vector<512x1xf32>, vector<512x1xf32>, vector<512x1xf32>, vector<512x1xf32>, vector<512x1xf32> -> vector<512x8xf32>
    %broadcast_in_dim3A = arith.constant 0.000000e+00 : f32
    %broadcast_in_dim3A_44 = vector.broadcast %broadcast_in_dim3A : f32 to vector<512x1xf32>
    %slice3A_45 = vector.extract_strided_slice %concatenate3A {offsets = [0, 0], sizes = [512, 7], strides = [1, 1]} : vector<512x8xf32> to vector<512x7xf32>
    %concatenate3A_46 = tpu.concatenate %broadcast_in_dim3A_44, %slice3A_45 in 1 : vector<512x1xf32>, vector<512x7xf32> -> vector<512x8xf32>
    %add3A = arith.addf %concatenate3A, %concatenate3A_46 : vector<512x8xf32>
    %broadcast_in_dim3A_47 = arith.constant 0.000000e+00 : f32
    %broadcast_in_dim3A_48 = vector.broadcast %broadcast_in_dim3A_47 : f32 to vector<512x2xf32>
    %slice3A_49 = vector.extract_strided_slice %add3A {offsets = [0, 0], sizes = [512, 6], strides = [1, 1]} : vector<512x8xf32> to vector<512x6xf32>
    %concatenate3A_50 = tpu.concatenate %broadcast_in_dim3A_48, %slice3A_49 in 1 : vector<512x2xf32>, vector<512x6xf32> -> vector<512x8xf32>
    %add3A_51 = arith.addf %add3A, %concatenate3A_50 : vector<512x8xf32>
    %broadcast_in_dim3A_52 = arith.constant 0.000000e+00 : f32
    %broadcast_in_dim3A_53 = vector.broadcast %broadcast_in_dim3A_52 : f32 to vector<512x4xf32>
    %slice3A_54 = vector.extract_strided_slice %add3A_51 {offsets = [0, 0], sizes = [512, 4], strides = [1, 1]} : vector<512x8xf32> to vector<512x4xf32>
    %concatenate3A_55 = tpu.concatenate %broadcast_in_dim3A_53, %slice3A_54 in 1 : vector<512x4xf32>, vector<512x4xf32> -> vector<512x8xf32>
    %add3A_56 = arith.addf %add3A_51, %concatenate3A_55 : vector<512x8xf32>
    %sub3A = arith.subf %add3A_56, %concatenate3A : vector<512x8xf32>
    %get3A_57 = arith.constant 0 : index
    %get3A_58 = arith.constant 0 : index
    %get3A_59 = vector.load %arg5[%get3A_57, %get3A_58] : memref<512x128xf32, #tpu.memory_space<vmem>>, vector<512x128xf32>
    %slice3A_60 = vector.extract_strided_slice %get3A_59 {offsets = [0, 0], sizes = [512, 1], strides = [1, 1]} : vector<512x128xf32> to vector<512x1xf32>
    %add3A_61 = vector.broadcast %slice3A_60 : vector<512x1xf32> to vector<512x8xf32>
    %add3A_62 = arith.addf %sub3A, %add3A_61 : vector<512x8xf32>
    %slice3A_63 = vector.extract_strided_slice %add3A_62 {offsets = [0, 0], sizes = [512, 1], strides = [1, 1]} : vector<512x8xf32> to vector<512x1xf32>
    %add3A_64 = vector.broadcast %slice3A_63 : vector<512x1xf32> to vector<512x256xf32>
    %add3A_65 = arith.addf %dot_general3A_14, %add3A_64 : vector<512x256xf32>
    %swap3A = arith.constant 0 : index
    %swap3A_66 = arith.constant 0 : index
    %swap3A_67 = vector.load %arg4[%swap3A, %swap3A_66] : memref<512x2048xf32, #tpu.memory_space<vmem>>, vector<512x256xf32>
    tpu.vector_store %arg4[%swap3A, %swap3A_66], %add3A_65 {strides = array<i32>} : memref<512x2048xf32, #tpu.memory_space<vmem>>, vector<512x256xf32>,
    %slice3A_68 = vector.extract_strided_slice %add3A_62 {offsets = [0, 1], sizes = [512, 1], strides = [1, 1]} : vector<512x8xf32> to vector<512x1xf32>
    %add3A_69 = vector.broadcast %slice3A_68 : vector<512x1xf32> to vector<512x256xf32>
    %add3A_70 = arith.addf %dot_general3A_17, %add3A_69 : vector<512x256xf32>
    %swap3A_71 = arith.constant 0 : index
    %swap3A_72 = arith.constant 256 : index
    %swap3A_73 = vector.load %arg4[%swap3A_71, %swap3A_72] : memref<512x2048xf32, #tpu.memory_space<vmem>>, vector<512x256xf32>
    tpu.vector_store %arg4[%swap3A_71, %swap3A_72], %add3A_70 {strides = array<i32>} : memref<512x2048xf32, #tpu.memory_space<vmem>>, vector<512x256xf32>,
    %slice3A_74 = vector.extract_strided_slice %add3A_62 {offsets = [0, 2], sizes = [512, 1], strides = [1, 1]} : vector<512x8xf32> to vector<512x1xf32>
    %add3A_75 = vector.broadcast %slice3A_74 : vector<512x1xf32> to vector<512x256xf32>
    %add3A_76 = arith.addf %dot_general3A_20, %add3A_75 : vector<512x256xf32>
    %swap3A_77 = arith.constant 0 : index
    %swap3A_78 = arith.constant 512 : index
    %swap3A_79 = vector.load %arg4[%swap3A_77, %swap3A_78] : memref<512x2048xf32, #tpu.memory_space<vmem>>, vector<512x256xf32>
    tpu.vector_store %arg4[%swap3A_77, %swap3A_78], %add3A_76 {strides = array<i32>} : memref<512x2048xf32, #tpu.memory_space<vmem>>, vector<512x256xf32>,
    %slice3A_80 = vector.extract_strided_slice %add3A_62 {offsets = [0, 3], sizes = [512, 1], strides = [1, 1]} : vector<512x8xf32> to vector<512x1xf32>
    %add3A_81 = vector.broadcast %slice3A_80 : vector<512x1xf32> to vector<512x256xf32>
    %add3A_82 = arith.addf %dot_general3A_23, %add3A_81 : vector<512x256xf32>
    %swap3A_83 = arith.constant 0 : index
    %swap3A_84 = arith.constant 768 : index
    %swap3A_85 = vector.load %arg4[%swap3A_83, %swap3A_84] : memref<512x2048xf32, #tpu.memory_space<vmem>>, vector<512x256xf32>
    tpu.vector_store %arg4[%swap3A_83, %swap3A_84], %add3A_82 {strides = array<i32>} : memref<512x2048xf32, #tpu.memory_space<vmem>>, vector<512x256xf32>,
    %slice3A_86 = vector.extract_strided_slice %add3A_62 {offsets = [0, 4], sizes = [512, 1], strides = [1, 1]} : vector<512x8xf32> to vector<512x1xf32>
    %add3A_87 = vector.broadcast %slice3A_86 : vector<512x1xf32> to vector<512x256xf32>
    %add3A_88 = arith.addf %dot_general3A_26, %add3A_87 : vector<512x256xf32>
    %swap3A_89 = arith.constant 0 : index
    %swap3A_90 = arith.constant 1024 : index
    %swap3A_91 = vector.load %arg4[%swap3A_89, %swap3A_90] : memref<512x2048xf32, #tpu.memory_space<vmem>>, vector<512x256xf32>
    tpu.vector_store %arg4[%swap3A_89, %swap3A_90], %add3A_88 {strides = array<i32>} : memref<512x2048xf32, #tpu.memory_space<vmem>>, vector<512x256xf32>,
    %slice3A_92 = vector.extract_strided_slice %add3A_62 {offsets = [0, 5], sizes = [512, 1], strides = [1, 1]} : vector<512x8xf32> to vector<512x1xf32>
    %add3A_93 = vector.broadcast %slice3A_92 : vector<512x1xf32> to vector<512x256xf32>
    %add3A_94 = arith.addf %dot_general3A_29, %add3A_93 : vector<512x256xf32>
    %swap3A_95 = arith.constant 0 : index
    %swap3A_96 = arith.constant 1280 : index
    %swap3A_97 = vector.load %arg4[%swap3A_95, %swap3A_96] : memref<512x2048xf32, #tpu.memory_space<vmem>>, vector<512x256xf32>
    tpu.vector_store %arg4[%swap3A_95, %swap3A_96], %add3A_94 {strides = array<i32>} : memref<512x2048xf32, #tpu.memory_space<vmem>>, vector<512x256xf32>,
    %slice3A_98 = vector.extract_strided_slice %add3A_62 {offsets = [0, 6], sizes = [512, 1], strides = [1, 1]} : vector<512x8xf32> to vector<512x1xf32>
    %add3A_99 = vector.broadcast %slice3A_98 : vector<512x1xf32> to vector<512x256xf32>
    %add3A_100 = arith.addf %dot_general3A_32, %add3A_99 : vector<512x256xf32>
    %swap3A_101 = arith.constant 0 : index
    %swap3A_102 = arith.constant 1536 : index
    %swap3A_103 = vector.load %arg4[%swap3A_101, %swap3A_102] : memref<512x2048xf32, #tpu.memory_space<vmem>>, vector<512x256xf32>
    tpu.vector_store %arg4[%swap3A_101, %swap3A_102], %add3A_100 {strides = array<i32>} : memref<512x2048xf32, #tpu.memory_space<vmem>>, vector<512x256xf32>,
    %slice3A_104 = vector.extract_strided_slice %add3A_62 {offsets = [0, 7], sizes = [512, 1], strides = [1, 1]} : vector<512x8xf32> to vector<512x1xf32>
    %add3A_105 = vector.broadcast %slice3A_104 : vector<512x1xf32> to vector<512x256xf32>
    %add3A_106 = arith.addf %dot_general3A_35, %add3A_105 : vector<512x256xf32>
    %swap3A_107 = arith.constant 0 : index
    %swap3A_108 = arith.constant 1792 : index
    %swap3A_109 = vector.load %arg4[%swap3A_107, %swap3A_108] : memref<512x2048xf32, #tpu.memory_space<vmem>>, vector<512x256xf32>
    tpu.vector_store %arg4[%swap3A_107, %swap3A_108], %add3A_106 {strides = array<i32>} : memref<512x2048xf32, #tpu.memory_space<vmem>>, vector<512x256xf32>,
    %slice3A_110 = vector.extract_strided_slice %add3A_62 {offsets = [0, 7], sizes = [512, 1], strides = [1, 1]} : vector<512x8xf32> to vector<512x1xf32>
    %slice3A_111 = vector.extract_strided_slice %concatenate3A {offsets = [0, 7], sizes = [512, 1], strides = [1, 1]} : vector<512x8xf32> to vector<512x1xf32>
    %add3A_112 = arith.addf %slice3A_110, %slice3A_111 : vector<512x1xf32>
    %broadcast_in_dim3A_113 = vector.shape_cast %add3A_112 : vector<512x1xf32> to vector<512x1xf32>
    %broadcast_in_dim3A_114 = vector.broadcast %broadcast_in_dim3A_113 : vector<512x1xf32> to vector<512x128xf32>
    %swap3A_115 = arith.constant 0 : index
    %swap3A_116 = arith.constant 0 : index
    %swap3A_117 = vector.load %arg5[%swap3A_115, %swap3A_116] : memref<512x128xf32, #tpu.memory_space<vmem>>, vector<512x128xf32>
    tpu.vector_store %arg5[%swap3A_115, %swap3A_116], %broadcast_in_dim3A_114 {strides = array<i32>} : memref<512x128xf32, #tpu.memory_space<vmem>>, vector<512x128xf32>,
    return
  }
  func.func @transform_0(%arg0: i32, %arg1: i32) -> (i32, i32) {
    %c0_i32 = arith.constant 0 : i32
    return %arg0, %arg1 : i32, i32
  }
  func.func @transform_1(%arg0: i32, %arg1: i32) -> (i32, i32) {
    %c0_i32 = arith.constant 0 : i32
    return %arg0, %arg1 : i32, i32
  }
  func.func @transform_2(%arg0: i32, %arg1: i32) -> (i32, i32) {
    %c0_i32 = arith.constant 0 : i32
    return %arg0, %arg1 : i32, i32
  }
}

</mosaic_0001>

<sc_bundles>
// kernel: kernel.4.cloned.1.call-start
scs
__scs_entry_jumppad:
0x0: {  	(pc) =	sbr.rel $0x88, $3  }
0x1: {  	(tag) =	ssettag $0x0;
	lr =	simm.s32 $0x1  }
0x2: {  	[smem:$0x3F9F] =	sst lr;
	_ =	strace $0xD0000000  }
0x3: {  	_ = 	snop  }
0x4: {  	_ = 	snop  }
0x5: {  	_ = 	snop  }
0x6: {  	_ = 	snop  }
0x7: {  	_ = 	snop  }
__scs_overlays_trampoline_lowered:
0x8: {  	[smem:$0x3FAE] =	sst s0  }
0x9: {  	[smem:$0x3FAF] =	sst s1  }
0xa: {  	[smem:$0x3FB0] =	sst s2  }
0xb: {  	[smem:$0x3FB1] =	sst s3  }
0xc: {  	[smem:$0x3FB2] =	sst s4  }
0xd: {  	[smem:$0x3FB3] =	sst s5  }
0xe: {  	[smem:$0x3FB4] =	sst s6  }
0xf: {  	[smem:$0x3FB5] =	sst s7  }
0x10: {  	[smem:$0x3FB6] =	sst s8  }
0x11: {  	[smem:$0x3FB7] =	sst s9;
	s0 =	simm.s32 @!p0 $0x0  }
0x12: {  	s1 =	sld [smem:$0x3F9D];
	s0 =	simm.s32 @p0 $0x1  }
0x13: {  	[smem:$0x3FB8] =	sst s0;
	s0 =	simm.s32 @!p1 $0x0  }
0x14: {  	s2 =	sld [smem:$0x3F9C];
	s0 =	simm.s32 @p1 $0x1  }
0x15: {  	[smem:$0x3FB9] =	sst s0;
	s0 =	simm.s32 @!p2 $0x0  }
0x16: {  	s3 =	sld [smem:$0x3FDB];
	s0 =	simm.s32 @p2 $0x1  }
0x17: {  	s4 =	simm.s32 $0x1BF5;
	[smem:$0x3FBB] =	sst s0  }
0x18: {  	s0 =	sld [smem:$0x3F9E];
	_ =	swait.ge [sflag:s4], $0x0  }
0x19: {  	s7 =	sld [smem:$0x3F9F]  }
0x1a: {  	s8 =	sadd.s32 $0xFFFFE003, lr  }
0x1b: {  	s9 =	sadd.s32 $0xFFFFFEF7, lr;
	s5 =	simm.s32 $0xFFFFFFFF;
	p2 =	slt.u32 s8, $0xFFFFF086  }
0x1c: {  	p1 =	slt.u32 s9, $0xF7A;
	s5 =	simm.s32 @!p2 $0x0  }
0x1d: {  	s5 =	simm.s32 @p1 $0x1;
	p0 =	seq.s32 s7, s2  }
0x1e: {  	s7 =	smul.u32 @!p0 $0xF7A, s2;
	p2 =	seq.s32 @!p0 s5, $0x0  }
0x1f: {  	s9 =	smul.u32 $0xF7A, s1;
	s8 =	simm.s32 @!p0 $0x1BF5;
	p2 =	por !p2, p0  }
0x20: {  	[sflag:s8] =	ssyncset.s32 @!p0 $0xFFFFF086;
	s6 =	sadd.s32 @!p0 s3, s7;
	s7 =	simm.s32 @!p0 $0x108  }
0x21: {  	s3 =	sadd.s32 s3, s9;
	s6 =	sadd.s32 @!p0 $0x88, s6;
	s7 =	simm.s32 @p2 $0x1082  }
0x22: {  	[simem:s7], [sflag:s8] =	dma.local @!p0 [hbm:s6], $0xF7A  }
0x23: {  	s9 =	sor.u32 $0xD0000000, s2;
	s6 =	simm.s32 $0x108;
	_ =	swait.ge @!p0 [sflag:s8], $0x0  }
0x24: {  	s3 =	sadd.s32 $0x88, s3;
	s6 =	simm.s32 @!p1 $0x1082;
	[sflag:s4] =	ssyncset.s32 $0xFFFFF086  }
0x25: {  	[simem:s6], [sflag:s4] =	dma.local [hbm:s3], $0xF7A  }
0x26: {  	[smem:$0x3F9F] =	sst s1;
	(tag) =	ssettag s2;
	_ =	strace s9  }
0x27: {  	s1 =	sld [smem:$0x3FAF]  }
0x28: {  	s2 =	sld [smem:$0x3FB0]  }
0x29: {  	s4 =	sld [smem:$0x3FB2]  }
0x2a: {  	p0 =	seq.s32 s5, $0x0;
	s5 =	sld [smem:$0x3FB3]  }
0x2b: {  	s6 =	sld [smem:$0x3FB4]  }
0x2c: {  	s7 =	sld [smem:$0x3FB5]  }
0x2d: {  	s3 =	simm.s32 $0x108;
	s8 =	sld [smem:$0x3FB6]  }
0x2e: {  	s3 =	simm.s32 @!p0 $0x1082;
	s9 =	sld [smem:$0x3FB7]  }
0x2f: {  	lr =	sadd.s32 s0, s3;
	s0 =	sld [smem:$0x3FAE]  }
0x30: {  	s3 =	sld [smem:$0x3FB1]  }
0x31: {  	[smem:$0x3FBA] =	sst s10  }
0x32: {  	s10 =	sld [smem:$0x3FB8];
	_ =	sdelay $0x3  }
0x33: {  	p0 =	seq.s32 s10, $0x1;
	s10 =	sld [smem:$0x3FBA];
	_ =	sdelay $0x3  }
0x34: {  	[smem:$0x3FBA] =	sst s10  }
0x35: {  	s10 =	sld [smem:$0x3FB9];
	_ =	sdelay $0x3  }
0x36: {  	p1 =	seq.s32 s10, $0x1;
	s10 =	sld [smem:$0x3FBA];
	_ =	sdelay $0x3  }
0x37: {  	[smem:$0x3FBA] =	sst s10  }
0x38: {  	s10 =	sld [smem:$0x3FBB]  }
0x39: {  	_ = 	snop;
	(pc) =	sbr.ind lr, $3  }
0x3a: {  	_ = 	snop  }
0x3b: {  	_ = 	snop  }
0x3c: {  	p2 =	seq.s32 s10, $0x1;
	s10 =	sld [smem:$0x3FBA]  }
0x3d: {  	_ =	shalt  }
0x3e: {  	_ =	shalt  }
0x3f: {  	_ =	shalt  }
0x40: {  	_ =	shalt  }
0x41: {  	_ =	shalt  }
0x42: {  	_ =	shalt  }
0x43: {  	_ =	shalt  }
0x44: {  	_ =	shalt  }
0x45: {  	_ =	shalt  }
0x46: {  	_ =	shalt  }
0x47: {  	_ =	shalt  }
0x48: {  	_ =	shalt  }
0x49: {  	_ =	shalt  }
0x4a: {  	_ =	shalt  }
0x4b: {  	_ =	shalt  }
0x4c: {  	_ =	shalt  }
0x4d: {  	_ =	shalt  }
0x4e: {  	_ =	shalt  }
0x4f: {  	_ =	shalt  }
0x50: {  	_ =	shalt  }
0x51: {  	_ =	shalt  }
0x52: {  	_ =	shalt  }
0x53: {  	_ =	shalt  }
0x54: {  	_ =	shalt  }
0x55: {  	_ =	shalt  }
0x56: {  	_ =	shalt  }
0x57: {  	_ =	shalt  }
0x58: {  	_ =	shalt  }
0x59: {  	_ =	shalt  }
0x5a: {  	_ =	shalt  }
0x5b: {  	_ =	shalt  }
0x5c: {  	_ =	shalt  }
0x5d: {  	_ =	shalt  }
0x5e: {  	_ =	shalt  }
0x5f: {  	_ =	shalt  }
0x60: {  	_ =	shalt  }
0x61: {  	_ =	shalt  }
0x62: {  	_ =	shalt  }
0x63: {  	_ =	shalt  }
0x64: {  	_ =	shalt  }
0x65: {  	_ =	shalt  }
0x66: {  	_ =	shalt  }
0x67: {  	_ =	shalt  }
0x68: {  	_ =	shalt  }
0x69: {  	_ =	shalt  }
0x6a: {  	_ =	shalt  }
0x6b: {  	_ =	shalt  }
0x6c: {  	_ =	shalt  }
0x6d: {  	_ =	shalt  }
0x6e: {  	_ =	shalt  }
0x6f: {  	_ =	shalt  }
0x70: {  	_ =	shalt  }
0x71: {  	_ =	shalt  }
0x72: {  	_ =	shalt  }
0x73: {  	_ =	shalt  }
0x74: {  	_ =	shalt  }
0x75: {  	_ =	shalt  }
0x76: {  	_ =	shalt  }
0x77: {  	_ =	shalt  }
0x78: {  	_ =	shalt  }
0x79: {  	_ =	shalt  }
0x7a: {  	_ =	shalt  }
0x7b: {  	_ =	shalt  }
0x7c: {  	_ =	shalt  }
0x7d: {  	_ =	shalt  }
0x7e: {  	_ =	shalt  }
0x7f: {  	_ =	shalt  }
0x80: {  	_ =	shalt  }
0x81: {  	_ =	shalt  }
0x82: {  	_ =	shalt  }
0x83: {  	_ =	shalt  }
0x84: {  	_ =	shalt  }
0x85: {  	_ =	shalt  }
0x86: {  	_ =	shalt  }
0x87: {  	_ =	shalt  }
.Lfunc_end0:
.L_simem_size_0:
called_computation_lowered:
.L_overlay_start_0:
0x88: {  	s2 =	sld [smem:$0x3FD9]  }
0x89: {  	s3 =	sld [smem:$0x3FFE];
	_ =	sdelay $0x1  }
0x8a: {  	s1 =	srdreg.scid  }
0x8b: {  	s0 =	sand.u32 $0x1, s1  }
0x8c: {  	s16 =	sshll.u32 s0, $0xA;
	s2 =	sadd.s32 s3, s2  }
0x8d: {  	s2 =	sadd.s32 s2, s16  }
0x8e: {  	[smem:$0x3FC6] =	sst s2  }
0x8f: {  	_ = 	snop  }
0x90: {  	(tm) =	ssettm $0x1  }
0x91: {  	s17 =	sld [smem:$0x3FFB];
	_ =	sdelay $0x3  }
0x92: {  	_ =	strace s17  }
0x93: {  	s2 =	sld [smem:$0x3FFC];
	_ =	sdelay $0x3  }
0x94: {  	_ =	strace s2  }
0x95: {  	s2 =	sld [smem:$0x3FFD];
	_ =	sdelay $0x3  }
0x96: {  	_ =	strace s2  }
0x97: {  	_ =	strace $0x8FFFFFFF  }
0x98: {  	s18 =	sld [smem:$0x3FDB];
	_ =	sdelay $0x1  }
0x99: {  	s19 =	simm.s32 $_scs_section_size  }
0x9a: {  	s4 =	simm.s32 $_size__tile_overlayer_lowered;
	s5 =	simm.s32 $_tile_overlayer_lowered  }
0x9b: {  	s22 =	simm.s32 $0x1BFF;
	s21 =	sshll.u32 s5, $0x1;
	s2 =	sadd.s32 s19, s18  }
0x9c: {  	s6 =	simm.s32 $0x0;
	s20 =	sshll.u32 s4, $0x1;
	s4 =	sadd.s32 s21, s2  }
0x9d: {  	[timem:s6], [sflag:s22] =	dma.local [hbm:s4], s20  }
0x9e: {  	_ =	swait.ge [sflag:s22], s20  }
0x9f: {  	s3 =	ssub.s32 $0x0, s20;
	[sflag:s22] =	ssyncset.done $0x0  }
0xa0: {  	[sflag:s22] =	ssyncadd.s32 s3;
	_ =	sdelay $0x1  }
0xa1: {  	s23 =	simm.s32 $0x1B8B  }
0xa2: {  	_ =	swait.ge [sflag:s23], $0x1  }
0xa3: {  	[sflag:s23] =	ssyncset.done $0x0  }
0xa4: {  	s25 =	simm.s32 $0x1B8E;
	s24 =	sld [smem:$0x3FFE];
	[sflag:s23] =	ssyncadd.s32 $0xFFFFFFFF  }
0xa5: {  	s26 =	simm.s32 $execute0_lowered;
	[smem:$0x3FD2] =	sst s25  }
0xa6: {  	s4 =	sshll.u32 s26, $0x1;
	_ =	strace $0x80000046;
	[dreg:$0x1] =	wrdreg $0xFFFFFFFF  }
0xa7: {  	s28 =	simm.s32 $_size_execute0_lowered;
	s2 =	sadd.s32 s2, s4;
	[dreg:$0x0] =	wrdreg $0x0  }
0xa8: {  	s4 =	sshll.u32 s28, $0x1;
	[dreg:$0x2] =	wrdreg s2  }
0xa9: {  	[dreg:$0x3] =	wrdreg s4  }
0xaa: {  	[dreg:$0x4] =	wrdreg $0xC0  }
0xab: {  	_ =	task [dreg:s6], $0x5FFFF  }
0xac: {  	[dreg:$0x1] =	wrdreg $0xFFFFFFFF  }
0xad: {  	[dreg:$0x0] =	wrdreg $0x60  }
0xae: {  	[dreg:$0x2] =	wrdreg s24  }
0xaf: {  	[dreg:$0x3] =	wrdreg $0x9  }
0xb0: {  	_ =	task.clear_ibuf [dreg:s6], $0x4FFFF;
	_ =	strace $0x90000046  }
0xb1: {  	s29 =	simm.s32 $0x9;
	_ =	strace $0x80000048  }
0xb2: {  	_ =	swait.ge [sflag:s29], $0x1  }
0xb3: {  	[sflag:s29] =	ssyncadd.s32 $0xFFFFFFFF  }
0xb4: {  	_ =	strace $0x90000048  }
0xb5: {  	_ =	sfence  }
0xb6: {  	s30 =	sld [smem:$0x0];
	_ =	sdelay $0x2  }
0xb7: {  	s31 =	sshll.u32 s1, $0xD;
	s1 =	sshrl.u32 s1, $0x2  }
0xb8: {  	s3 =	sand.u32 $0x4000, s31;
	s1 =	sadd.s32 s1, s30  }
0xb9: {  	s0 =	sor.u32 s3, s0;
	s1 =	sshll.u32 s1, $0x11  }
0xba: {  	s0 =	sor.u32 s1, s0  }
0xbb: {  	s0 =	sadd.s32 $0x8F2B, s0  }
0xbc: {  	[sflag:s0] =	ssyncadd.remote.s32 $0x1  }
0xbd: {  	_ =	sfence.sel $0xFFFF  }
0xbe: {  	[dreg:$0x0] =	wrdreg $0xFFFFFFFF;
	(pc) =	sbr.abs _section_cstart, $3  }
0xbf: {  	[dreg:$0x1] =	wrdreg $0xFFFFFFFF  }
0xc0: {  	_ =	task.clear_ibuf [dreg:s6], $0x2FFFF;
	_ =	strace $0x9FFFFFFF  }
0xc1: {  	(tm) =	ssettm $0x7FFFFFFF  }
tec
execute0_lowered:
.L_overlay_start_1:
0x0: {  	(tag) =	ssettag $0x1  }
0x1: {  	s2 =	rddreg [dreg:$0x0]  }
0x2: {  	s0 =	rddreg [dreg:$0x1];
	s1 =	simm.s32 $0x0;
	s3 =	srdreg.scid  }
0x3: {  	s9 =	simm.s32 $0x8000;
	s10 =	simm.s32 $0x10000;
	s11 =	simm.s32 $0x0  }
0x4: {  	[smem:$0x7FF] =	sst s1;
	s6 =	sand.u32 $0x1, s3;
	s3 =	sadd.s32 $0x400, s2  }
0x5: {  	s4 =	sadd.s32 $0x80400, s2;
	s5 =	sadd.s32 $0x100400, s2;
	s7 =	ssub.s32 $0x2, s6  }
0x6: {  	s2 =	stileid.u32;
	_ =	strace $0x80000047;
	s8 =	sshrl.u32 s7, $0x1  }
0x7: {  	s31 =	sshll.u32 s2, $0xF;
	s6 =	sshll.u32 s6, $0xE;
	s7 =	ssub.s32 s7, s8  }
0x8: {  	v0 =	vimm.s32 $0xF;
	s6 =	sor.u32 s6, s31;
	s8 =	simm.s32 $0x1;
	s7 =	smax.u32 s7, $0x1  }
.LBB2_1:
0x9: {  	s12 =	simm.s32 $0x0  }
.LBB2_2:
0xa: {  	s13 =	sshll.u32 s12, $0xC  }
0xb: {  	s13 =	sadd.s32 s6, s13  }
0xc: {  	s14 =	simm.s32 $0x0;
	s15 =	sadd.s32 s3, s13  }
0xd: {  	[tilespmem:s14], [sflag:$0x1] =	stream.linear.gather [hbm4b:s15+s14], $0x8000, $0x38;
	[tilespmem:$0x18000] =	vst v63  }
0xe: {  	_ =	swait.ge [sflag:s8], $0x8000  }
0xf: {  	[sflag:s8] =	ssyncset.done $0x0  }
0x10: {  	s31 =	sadd.s32 s4, s13;
	[sflag:s8] =	ssyncadd.s32 $0xFFFF8000  }
0x11: {  	[tilespmem:s9], [sflag:$0x1] =	stream.linear.gather [hbm4b:s31+s14], $0x8000, $0x38;
	[tilespmem:$0x18000] =	vst v63  }
0x12: {  	_ =	swait.ge [sflag:s8], $0x8000  }
0x13: {  	s16 =	simm.s32 $0x8070;
	[sflag:s8] =	ssyncset.done $0x0  }
0x14: {  	s17 =	simm.s32 $0x10070;
	s15 =	simm.s32 $0x40;
	[sflag:s8] =	ssyncadd.s32 $0xFFFF8000  }
.LBB2_3:
0x15: {  	v2 =	vmov s16  }
0x16: {  	v1 =	vmov s15;
	_ =	sdelay $0x1  }
0x17: {  	v4 =	vimm.f32 $0.0e+00;
	v3 =	vmov s17;
	s18 =	simm.s32 $0x0  }
.LBB2_4:
0x18: {  	s19 =	sshra.s32 s18, $0x2  }
0x19: {  	v5 =	vld.idx.msk [tilespmem:v2+s19+$0xFFFFFF90 ss:$0x1], $0xffff  }
0x1a: {  	v6 =	vld.idx.msk [tilespmem:v1+s19+$0xFFFFFFC0 ss:$0x1], $0xffff  }
0x1b: {  	v7 =	vld.idx.msk [tilespmem:v2+s19+$0xFFFFFFA0 ss:$0x1], $0xffff  }
0x1c: {  	v8 =	vld.idx.msk [tilespmem:v1+s19+$0xFFFFFFD0 ss:$0x1], $0xffff  }
0x1d: {  	v9 =	vld.idx.msk [tilespmem:v2+s19+$0xFFFFFFB0 ss:$0x1], $0xffff  }
0x1e: {  	v10 =	vld.idx.msk [tilespmem:v1+s19+$0xFFFFFFE0 ss:$0x1], $0xffff  }
0x1f: {  	v11 =	vld.idx.msk [tilespmem:v2+s19+$0xFFFFFFC0 ss:$0x1], $0xffff;
	v5 =	vcvt.s32.f32 v5  }
0x20: {  	v12 =	vld.idx.msk [tilespmem:v2+s19+$0xFFFFFFD0 ss:$0x1], $0xffff  }
0x21: {  	v48 =	vld.idx.msk [tilespmem:v1+s19+$0x0 ss:$0x1], $0xffff;
	v5 =	vmul.f32 v5, v6;
	v6 =	vcvt.s32.f32 v7  }
0x22: {  	v7 =	vld.idx.msk [tilespmem:v1+s19+$0xFFFFFFF0 ss:$0x1], $0xffff  }
0x23: {  	v50 =	vld.idx.msk [tilespmem:v2+s19+$0xFFFFFFF0 ss:$0x1], $0xffff;
	v47 =	vcvt.s32.f32 v9;
	v6 =	vmul.f32 v6, v8;
	(xrf2) =	vadd.scan.msk.f32 $0xffff, v5  }
0x24: {  	v5 =	vld.idx.msk [tilespmem:v2+s19+$0xFFFFFFE0 ss:$0x1], $0xffff  }
0x25: {  	v52 =	vld.idx.msk [tilespmem:v1+s19+$0x20 ss:$0x1], $0xffff;
	v49 =	vcvt.s32.f32 v11;
	v8 =	vmul.f32 v47, v10;
	(xrf2) =	vadd.scan.msk.f32 $0xffff, v6  }
0x26: {  	v51 =	vcvt.s32.f32 v12;
	v6 =	vld.idx.msk [tilespmem:v1+s19+$0x10 ss:$0x1], $0xffff  }
0x27: {  	v7 =	vmul.f32 v49, v7;
	(xrf2) =	vadd.scan.msk.f32 $0xffff, v8  }
0x28: {  	v53 =	vmul.f32 v51, v48  }
0x29: {  	v5 =	vcvt.s32.f32 v5;
	(xrf2) =	vadd.scan.msk.f32 $0xffff, v7;
	v7 =	vcvt.s32.f32 v50  }
0x2a: {  	v54 =	vld.idx.msk [tilespmem:v2+s19+$0x0 ss:$0x1], $0xffff  }
0x2b: {  	(xrf2) =	vadd.scan.msk.f32 $0xffff, v53;
	v5 =	vmul.f32 v5, v6;
	v6 =	vmul.f32 v7, v52  }
0x2c: {  	v7 =	vld.idx.msk [tilespmem:v1+s19+$0x30 ss:$0x1], $0xffff  }
0x2d: {  	v55, _, _ =	vpop (xrf2);
	(xrf2) =	vadd.scan.msk.f32 $0xffff, v5  }
0x2e: {  	v5 =	vperm.xlane v55, v0  }
0x2f: {  	v9 =	vcvt.s32.f32 v54;
	(xrf2) =	vadd.scan.msk.f32 $0xffff, v6;
	v6, _, _ =	vpop (xrf2)  }
0x30: {  	v56 =	vperm.xlane v6, v0;
	v5 =	vadd.f32 v5, v4  }
0x31: {  	v7 =	vmul.f32 v9, v7;
	v57, _, _ =	vpop (xrf2)  }
0x32: {  	v58 =	vperm.xlane v57, v0;
	v10 =	vadd.f32 v56, v5  }
0x33: {  	(xrf2) =	vadd.scan.msk.f32 $0xffff, v7;
	v59, _, _ =	vpop (xrf2)  }
0x34: {  	v7 =	vperm.xlane v59, v0;
	v9 =	vadd.f32 v58, v10  }
0x35: {  	v13, _, _ =	vpop (xrf2)  }
0x36: {  	v4 =	vadd.f32 v55, v4;
	v14 =	vperm.xlane v13, v0;
	v7 =	vadd.f32 v7, v9  }
0x37: {  	v5 =	vadd.f32 v5, v6;
	v15, _, _ =	vpop (xrf2)  }
0x38: {  	[tilespmem:v3+s19+$0xFFFFFF90 ss:$0x1] =	vst.idx.msk $0xffff, v4;
	v16 =	vperm.xlane v15, v0;
	v6 =	vadd.f32 v14, v7  }
0x39: {  	v4 =	vadd.f32 v10, v57;
	[tilespmem:v3+s19+$0xFFFFFFA0 ss:$0x1] =	vst.idx.msk $0xffff, v5;
	v60, _, _ =	vpop (xrf2)  }
0x3a: {  	v5 =	vadd.f32 v9, v59;
	v61 =	vperm.xlane v60, v0;
	v62 =	vadd.f32 v16, v6  }
0x3b: {  	p0 =	sne.s32 s18, $0x7E00;
	[tilespmem:v3+s19+$0xFFFFFFB0 ss:$0x1] =	vst.idx.msk $0xffff, v4;
	v4 =	vadd.f32 v7, v13  }
.Ltmp0:
0x3c: {  	[tilespmem:v3+s19+$0xFFFFFFC0 ss:$0x1] =	vst.idx.msk $0xffff, v5;
	v5 =	vadd.f32 v6, v15;
	v6 =	vadd.f32 v61, v62;
	(pc) =	sbr.rel @p0 .LBB2_4-.Ltmp0, $4  }
0x3d: {  	[tilespmem:v3+s19+$0xFFFFFFD0 ss:$0x1] =	vst.idx.msk $0xffff, v4;
	v7, _, _ =	vpop (xrf2);
	v4 =	vadd.f32 v62, v60  }
0x3e: {  	v63 =	vperm.xlane v7, v0;
	[tilespmem:v3+s19+$0xFFFFFFE0 ss:$0x1] =	vst.idx.msk $0xffff, v5;
	v5 =	vadd.f32 v6, v7  }
0x3f: {  	[tilespmem:v3+s19+$0xFFFFFFF0 ss:$0x1] =	vst.idx.msk $0xffff, v4  }
0x40: {  	s18 =	sadd.s32 $0x200, s18;
	v4 =	vadd.f32 v63, v6;
	[tilespmem:v3+s19+$0x0 ss:$0x1] =	vst.idx.msk $0xffff, v5  }
0x41: {  	s14 =	sadd.s32 $0x1, s14  }
0x42: {  	p0 =	sne.s32 s14, $0x4  }
.Ltmp1:
0x43: {  	_ = 	snop;
	(pc) =	sbr.rel @p0 .LBB2_3-.Ltmp1, $2  }
0x44: {  	_ =	sdelay $0x2  }
0x45: {  	s15 =	sadd.s32 $0x2000, s15;
	s16 =	sadd.s32 $0x2000, s16;
	s17 =	sadd.s32 $0x2000, s17  }
0x46: {  	s12 =	sadd.s32 $0x1, s12  }
0x47: {  	p0 =	sne.s32 s12, $0x4  }
.Ltmp2:
0x48: {  	s13 =	sadd.s32 s5, s13;
	(pc) =	sbr.rel @p0 .LBB2_2-.Ltmp2, $4  }
0x49: {  	[hbm4b:s13+s1] =	stream.linear.scatter [tilespmem:s10], [sflag:$0x1], $0x8000, $0x38;
	[tilespmem:$0x18000] =	vst v63  }
0x4a: {  	_ =	swait.ge [sflag:s8], $0x8000  }
0x4b: {  	[sflag:s8] =	ssyncset.done $0x0  }
0x4c: {  	[sflag:s8] =	ssyncadd.s32 $0xFFFF8000  }
0x4d: {  	s11 =	sadd.s32 $0x1, s11  }
0x4e: {  	p0 =	sne.s32 s11, s7  }
.Ltmp3:
0x4f: {  	_ = 	snop;
	(pc) =	sbr.rel @p0 .LBB2_1-.Ltmp3, $1  }
0x50: {  	_ =	sdelay $0x3  }
0x51: {  	_ =	sfence.sel $0x180000  }
0x52: {  	[bflag:$0x0] =	sbarrier.arrive $0xFFFF  }
0x53: {  	p0 =	sne.s32 s2, $0x0;
	_ =	strace $0x90000047  }
0x54: {  	s0 =	sadd.s32 @!p0 $0x100000, s0;
	[bflag:$0x2] =	sbarrier.arrive $0xFFFF  }
0x55: {  	[sflag:s0] =	ssyncadd.tile.s32 @!p0 $0x1;
	_ =	shalt  }
.Lfunc_end2:
_tile_overlayer_lowered:
.L_overlay_start_2:
0x56: {  	(tag) =	ssettag $0x2  }
0x57: {  	s0 =	rddreg [dreg:$0x0];
	s2 =	stileid.u32  }
0x58: {  	s1 =	rddreg [dreg:$0x1];
	p0 =	sne.s32 s2, $0x0  }
0x59: {  	s3 =	rddreg [dreg:$0x2];
	[bflag:$0x3] =	sbarrier.arrive $0xFFFF;
	s2 =	simm.s32 @!p0 $0x1C01  }
0x5a: {  	[timem:s3], [sflag:s2] =	dma.local @!p0 [hbm:s0], s1  }
0x5b: {  	s0 =	simm.s32 @!p0 $0x1  }
0x5c: {  	_ =	swait.ge @!p0 [sflag:s0], s1  }
0x5d: {  	s1 =	ssub.s32 @!p0 $0x0, s1;
	[sflag:s0] =	ssyncset.done @!p0 $0x0  }
0x5e: {  	[sflag:s0] =	ssyncadd.s32 @!p0 s1  }
0x5f: {  	[bflag:$0x3] =	sbarrier.arrive $0xFFFF  }
0x60: {  	_ =	shalt  }

</sc_bundles>
